<compile_context>
chip_gen: v7x
topology: tpu7x:2x2x1
jax: 0.10.2.dev20260603
libtpu: 0.0.44.dev20260713+nightly
codegen_flags: <defaults>
</compile_context>

<pallas_src>
import jax
import jax.numpy as jnp
from jax import lax
from jax.experimental import pallas as pl
from jax.experimental.pallas import tpu as pltpu
from jax.experimental.pallas import tpu_sc as plsc

L_TOTAL = 16384
VOCAB = 300
HIDDEN = 100
HBINS = 304
HPAD = 128
LANES = 16

NC = 1
NS = 16
NW = NC * NS
CHUNK = L_TOTAL // NW


def _hist_body(x_hbm, out_hbm, idx_v, hist_a, sem):
    wid = lax.axis_index("s") * NC + lax.axis_index("c")
    base = wid * CHUNK
    cp = pltpu.make_async_copy(x_hbm.at[pl.ds(base, CHUNK)], idx_v, sem)
    cp.start()
    zeros = jnp.zeros((LANES,), jnp.float32)

    def zero_body(i, carry):
        hist_a[pl.ds(i * LANES, LANES)] = zeros
        return carry

    lax.fori_loop(0, HBINS // LANES, zero_body, 0)
    cp.wait()
    ones = jnp.ones((LANES,), jnp.float32)

    def scatter_body(i, carry):
        idx = idx_v[pl.ds(i * LANES, LANES)]
        plsc.addupdate_scatter(hist_a, [idx], ones)
        return carry

    lax.fori_loop(0, CHUNK // LANES, scatter_body, 0, unroll=4)
    pltpu.sync_copy(hist_a, out_hbm.at[wid])


_hist = pl.kernel(
    _hist_body,
    out_type=jax.ShapeDtypeStruct((NW, HBINS), jnp.float32),
    mesh=plsc.VectorSubcoreMesh(
        core_axis_name="c", subcore_axis_name="s", num_cores=NC),
    scratch_types=[
        pltpu.VMEM((CHUNK,), jnp.int32),
        pltpu.VMEM((HBINS,), jnp.float32),
        pltpu.SemaphoreType.DMA,
    ],
    compiler_params=pltpu.CompilerParams(needs_layout_passes=False),
)


def _dense_body(part_ref, lp_ref, w_ref, b_ref, out_ref):
    counts = jnp.sum(part_ref[:, :VOCAB], axis=0, keepdims=True) * (1.0 / L_TOTAL)
    embed = jnp.dot(counts, lp_ref[...], preferred_element_type=jnp.float32)
    out = lax.dot_general(
        embed, w_ref[...], (((1,), (1,)), ((), ())),
        preferred_element_type=jnp.float32)
    out_ref[...] = out + b_ref[...].reshape(1, VOCAB)


_dense = pl.pallas_call(
    _dense_body,
    out_shape=jax.ShapeDtypeStruct((1, VOCAB), jnp.float32),
)


def kernel(x, Lp, W, b):
    x = x.astype(jnp.int32)
    part = _hist(x)
    return _dense(part, Lp, W, b)

# --- scband reference (transcript-rebuilt; emitter-appended) ---
"""Pipeline reference for scband-knowledge-graph-embedding-13082470383775 (READ-ONLY COPY).

The authoritative reference and input builder live on the scoring server;
editing this copy changes nothing except your own understanding.
"""

import jax, jax.numpy as jnp
import numpy as np

VOCAB = 300
HIDDEN = 100

def setup_inputs(seed: int = 0) -> dict:
    key = jax.random.key(seed)
    k1, k2, k3, k4 = jax.random.split(key, 4)
    x = jax.random.randint(k1, (16384,), 0, VOCAB, dtype=jnp.int64 if jax.config.jax_enable_x64 else jnp.int32)
    Lp = jax.random.normal(k2, (VOCAB, HIDDEN), dtype=jnp.float32)
    W = jax.random.normal(k3, (VOCAB, HIDDEN), dtype=jnp.float32) * 0.1  # nn.Linear weight [out, in]
    b = jax.random.normal(k4, (VOCAB,), dtype=jnp.float32) * 0.01
    return {"x": x, "Lp": Lp, "W": W, "b": b}

def reference(x, Lp, W, b):
    # embed = mean(Lp(x), dim=0).view(1, -1)
    gathered = jnp.take(Lp, x, axis=0)          # [L, HIDDEN] embedding gather
    embed = jnp.mean(gathered, axis=0).reshape(1, -1)  # [1, HIDDEN]
    # out = linear(embed)
    out = embed @ W.T + b                        # [1, VOCAB]
    return out

if __name__ == "__main__":
    import jax
    _d = setup_inputs()
    print(jax.jit(kernel)(*tuple(_d.values())))

</pallas_src>

<mosaic_0001>
#map = affine_map<(d0, d1) -> (0)>
#map1 = affine_map<(d0, d1) -> (0, 0)>
module attributes {stable_mosaic.version = 14 : i64} {
  func.func @_hist_body(%arg0: i32, %arg1: i32, %arg2: memref<16384xi32, #tpu.memory_space<hbm>>, %arg3: memref<16x304xf32, #tpu.memory_space<hbm>>, %arg4: memref<1024xi32, #tpu.memory_space<vmem>>, %arg5: memref<304xf32, #tpu.memory_space<vmem>>, %arg6: memref<!tpu.dma_semaphore, #tpu.memory_space<semaphore_mem>>) attributes {dimension_semantics = [#tpu.dimension_semantics<core_parallel>, #tpu.dimension_semantics<subcore_parallel>], iteration_bounds = array<i64: 1, 16>, scalar_prefetch = 0 : i64, scratch_operands = 3 : i64, tpu.core_type = #tpu.core_type<sc_vector_subcore>, window_params = [{transform_indices = #map}, {transform_indices = #map1}]} {
    %mul3A = arith.constant 1 : i32
    %mul3A_0 = arith.muli %arg1, %mul3A : i32
    %add3A = arith.addi %mul3A_0, %arg0 : i32
    %mul3A_1 = arith.constant 1024 : i32
    %mul3A_2 = arith.muli %add3A, %mul3A_1 : i32
    %dma_start3A = tpu.memref_slice %arg2[%mul3A_2] : memref<16384xi32, #tpu.memory_space<hbm>> -> memref<1024xi32, #tpu.memory_space<hbm>>
    %dma_start3A_3 = tpu.memref_slice %arg2[%mul3A_2] : memref<16384xi32, #tpu.memory_space<hbm>> -> memref<1024xi32, #tpu.memory_space<hbm>>
    tpu.enqueue_dma source(%dma_start3A_3 : memref<1024xi32, #tpu.memory_space<hbm>>) target(%arg4 : memref<1024xi32, #tpu.memory_space<vmem>>) target_semaphore(%arg6 : memref<!tpu.dma_semaphore, #tpu.memory_space<semaphore_mem>>)
    %broadcast_in_dim3A = arith.constant 0.000000e+00 : f32
    %broadcast_in_dim3A_4 = vector.broadcast %broadcast_in_dim3A : f32 to vector<16xf32>
    %scan3A = arith.constant 0 : i32
    %scan3A_5 = arith.constant 0 : i32
    %scan3A_6 = arith.constant 19 : i32
    %scan3A_7 = arith.addi %scan3A_5, %scan3A_6 : i32
    %scan3A_8 = arith.constant 1 : i32
    scf.for %scan3A_19 = %scan3A_5 to %scan3A_7 step %scan3A_8  : i32 {
      %mul3A_20 = arith.constant 16 : i32
      %mul3A_21 = arith.muli %scan3A_19, %mul3A_20 : i32
      %swap3A = arith.index_cast %mul3A_21 : i32 to index
      %swap3A_22 = tpu.vector_load %arg5[%swap3A] {strides = array<i32>} : memref<304xf32, #tpu.memory_space<vmem>>, vector<16xf32>,
      tpu.vector_store %arg5[%swap3A], %broadcast_in_dim3A_4 {strides = array<i32>} : memref<304xf32, #tpu.memory_space<vmem>>, vector<16xf32>,
    }
    %scan3A_9 = arith.constant 19 : i32
    %dma_wait3A = tpu.memref_slice %arg2[%mul3A_2] : memref<16384xi32, #tpu.memory_space<hbm>> -> memref<1024xi32, #tpu.memory_space<hbm>>
    %dma_wait3A_10 = tpu.memref_slice %arg2[%mul3A_2] : memref<16384xi32, #tpu.memory_space<hbm>> -> memref<1024xi32, #tpu.memory_space<hbm>>
    tpu.wait_dma2 semaphore(%arg6 : memref<!tpu.dma_semaphore, #tpu.memory_space<semaphore_mem>>) src(%dma_wait3A_10 : memref<1024xi32, #tpu.memory_space<hbm>>) dst(%arg4 : memref<1024xi32, #tpu.memory_space<vmem>>)
    %broadcast_in_dim3A_11 = arith.constant 1.000000e+00 : f32
    %broadcast_in_dim3A_12 = vector.broadcast %broadcast_in_dim3A_11 : f32 to vector<16xf32>
    %scan3A_13 = arith.constant 0 : i32
    %scan3A_14 = arith.constant 0 : i32
    %scan3A_15 = arith.constant 64 : i32
    %scan3A_16 = arith.addi %scan3A_14, %scan3A_15 : i32
    %scan3A_17 = arith.constant 4 : i32
    scf.for %scan3A_19 = %scan3A_14 to %scan3A_16 step %scan3A_17  : i32 {
      %mul3A_20 = arith.constant 16 : i32
      %mul3A_21 = arith.muli %scan3A_19, %mul3A_20 : i32
      %get3A = arith.index_cast %mul3A_21 : i32 to index
      %get3A_22 = tpu.vector_load %arg4[%get3A] {strides = array<i32>} : memref<1024xi32, #tpu.memory_space<vmem>>, vector<16xi32>,
      tpu.vector_store_idx %arg5[%get3A_22], %broadcast_in_dim3A_12 {add = true} : memref<304xf32, #tpu.memory_space<vmem>>[vector<16xi32>], vector<16xf32>,
      %scan3A_23 = arith.constant 1 : i32
      %scan3A_24 = arith.addi %scan3A_19, %scan3A_23 : i32
      %mul3A_25 = arith.constant 16 : i32
      %mul3A_26 = arith.muli %scan3A_24, %mul3A_25 : i32
      %get3A_27 = arith.index_cast %mul3A_26 : i32 to index
      %get3A_28 = tpu.vector_load %arg4[%get3A_27] {strides = array<i32>} : memref<1024xi32, #tpu.memory_space<vmem>>, vector<16xi32>,
      tpu.vector_store_idx %arg5[%get3A_28], %broadcast_in_dim3A_12 {add = true} : memref<304xf32, #tpu.memory_space<vmem>>[vector<16xi32>], vector<16xf32>,
      %scan3A_29 = arith.constant 2 : i32
      %scan3A_30 = arith.addi %scan3A_19, %scan3A_29 : i32
      %mul3A_31 = arith.constant 16 : i32
      %mul3A_32 = arith.muli %scan3A_30, %mul3A_31 : i32
      %get3A_33 = arith.index_cast %mul3A_32 : i32 to index
      %get3A_34 = tpu.vector_load %arg4[%get3A_33] {strides = array<i32>} : memref<1024xi32, #tpu.memory_space<vmem>>, vector<16xi32>,
      tpu.vector_store_idx %arg5[%get3A_34], %broadcast_in_dim3A_12 {add = true} : memref<304xf32, #tpu.memory_space<vmem>>[vector<16xi32>], vector<16xf32>,
      %scan3A_35 = arith.constant 3 : i32
      %scan3A_36 = arith.addi %scan3A_19, %scan3A_35 : i32
      %mul3A_37 = arith.constant 16 : i32
      %mul3A_38 = arith.muli %scan3A_36, %mul3A_37 : i32
      %get3A_39 = arith.index_cast %mul3A_38 : i32 to index
      %get3A_40 = tpu.vector_load %arg4[%get3A_39] {strides = array<i32>} : memref<1024xi32, #tpu.memory_space<vmem>>, vector<16xi32>,
      tpu.vector_store_idx %arg5[%get3A_40], %broadcast_in_dim3A_12 {add = true} : memref<304xf32, #tpu.memory_space<vmem>>[vector<16xi32>], vector<16xf32>,
    }
    %scan3A_18 = arith.constant 64 : i32
    "tpu.region"() ({
      %run_scoped3A = tpu.sem_alloc : memref<!tpu.dma_semaphore, #tpu.memory_space<semaphore_mem>>
      %dma_start3A_19 = arith.constant 0 : i32
      %dma_start3A_20 = tpu.memref_slice %arg3[%add3A, %dma_start3A_19] : memref<16x304xf32, #tpu.memory_space<hbm>> -> memref<1x304xf32, #tpu.memory_space<hbm>>
      %dma_start3A_21 = tpu.memref_squeeze %dma_start3A_20 : memref<1x304xf32, #tpu.memory_space<hbm>> -> memref<304xf32, #tpu.memory_space<hbm>>
      %dma_start3A_22 = arith.constant 0 : i32
      %dma_start3A_23 = tpu.memref_slice %arg3[%add3A, %dma_start3A_22] : memref<16x304xf32, #tpu.memory_space<hbm>> -> memref<1x304xf32, #tpu.memory_space<hbm>>
      %dma_start3A_24 = tpu.memref_squeeze %dma_start3A_23 : memref<1x304xf32, #tpu.memory_space<hbm>> -> memref<304xf32, #tpu.memory_space<hbm>>
      tpu.enqueue_dma source(%arg5 : memref<304xf32, #tpu.memory_space<vmem>>) target(%dma_start3A_24 : memref<304xf32, #tpu.memory_space<hbm>>) target_semaphore(%run_scoped3A : memref<!tpu.dma_semaphore, #tpu.memory_space<semaphore_mem>>)
      %dma_wait3A_25 = arith.constant 0 : i32
      %dma_wait3A_26 = tpu.memref_slice %arg3[%add3A, %dma_wait3A_25] : memref<16x304xf32, #tpu.memory_space<hbm>> -> memref<1x304xf32, #tpu.memory_space<hbm>>
      %dma_wait3A_27 = tpu.memref_squeeze %dma_wait3A_26 : memref<1x304xf32, #tpu.memory_space<hbm>> -> memref<304xf32, #tpu.memory_space<hbm>>
      %dma_wait3A_28 = arith.constant 0 : i32
      %dma_wait3A_29 = tpu.memref_slice %arg3[%add3A, %dma_wait3A_28] : memref<16x304xf32, #tpu.memory_space<hbm>> -> memref<1x304xf32, #tpu.memory_space<hbm>>
      %dma_wait3A_30 = tpu.memref_squeeze %dma_wait3A_29 : memref<1x304xf32, #tpu.memory_space<hbm>> -> memref<304xf32, #tpu.memory_space<hbm>>
      tpu.wait_dma2 semaphore(%run_scoped3A : memref<!tpu.dma_semaphore, #tpu.memory_space<semaphore_mem>>) src(%arg5 : memref<304xf32, #tpu.memory_space<vmem>>) dst(%dma_wait3A_30 : memref<304xf32, #tpu.memory_space<hbm>>)
      tpu.yield
    }) : () -> ()
    return
  }
}

module attributes {stable_mosaic.version = 14 : i64} {
  func.func @_dense_body(%arg0: memref<16x304xf32, #tpu.memory_space<vmem>>, %arg1: memref<300x100xf32, #tpu.memory_space<vmem>>, %arg2: memref<300x100xf32, #tpu.memory_space<vmem>>, %arg3: memref<300xf32, #tpu.memory_space<vmem>>, %arg4: memref<1x300xf32, #tpu.memory_space<vmem>>) attributes {dimension_semantics = [], scalar_prefetch = 0 : i64, scratch_operands = 0 : i64, tpu.core_type = #tpu.core_type<tc>} {
    %get3A = arith.constant 0 : index
    %get3A_0 = arith.constant 0 : index
    %get3A_1 = vector.load %arg0[%get3A, %get3A_0] : memref<16x304xf32, #tpu.memory_space<vmem>>, vector<16x300xf32>
    %reduce_sum3A = arith.constant dense<0.000000e+00> : vector<300xf32>
    %reduce_sum3A_2 = vector.multi_reduction <add>, %get3A_1, %reduce_sum3A [0] : vector<16x300xf32> to vector<300xf32>
    %broadcast_in_dim3A = vector.shape_cast %reduce_sum3A_2 : vector<300xf32> to vector<1x300xf32>
    %mul3A = arith.constant 6.10351563E-5 : f32
    %mul3A_3 = vector.broadcast %mul3A : f32 to vector<1x300xf32>
    %mul3A_4 = arith.mulf %broadcast_in_dim3A, %mul3A_3 : vector<1x300xf32>
    %get3A_5 = arith.constant 0 : index
    %get3A_6 = arith.constant 0 : index
    %get3A_7 = vector.load %arg1[%get3A_5, %get3A_6] : memref<300x100xf32, #tpu.memory_space<vmem>>, vector<300x100xf32>
    %dot_general3A = arith.constant dense<0.000000e+00> : vector<1x100xf32>
    %dot_general3A_8 = tpu.matmul %mul3A_4, %get3A_7, %dot_general3A {dimension_numbers = #tpu.dot_dimension_numbers<[1], [0], [0], [1], [0, 0, 1, 1], [], []>, transpose_lhs_hint = false} : vector<1x300xf32>, vector<300x100xf32>, vector<1x100xf32> -> vector<1x100xf32>
    %get3A_9 = arith.constant 0 : index
    %get3A_10 = arith.constant 0 : index
    %get3A_11 = vector.load %arg2[%get3A_9, %get3A_10] : memref<300x100xf32, #tpu.memory_space<vmem>>, vector<300x100xf32>
    %dot_general3A_12 = arith.constant dense<0.000000e+00> : vector<1x300xf32>
    %dot_general3A_13 = tpu.matmul %dot_general3A_8, %get3A_11, %dot_general3A_12 {dimension_numbers = #tpu.dot_dimension_numbers<[1], [1], [0], [0], [0, 0, 1, 0], [], []>, transpose_lhs_hint = false} : vector<1x100xf32>, vector<300x100xf32>, vector<1x300xf32> -> vector<1x300xf32>
    %get3A_14 = arith.constant 0 : index
    %get3A_15 = vector.load %arg3[%get3A_14] : memref<300xf32, #tpu.memory_space<vmem>>, vector<300xf32>
    %reshape3A = vector.shape_cast %get3A_15 : vector<300xf32> to vector<1x300xf32>
    %add3A = arith.addf %dot_general3A_13, %reshape3A : vector<1x300xf32>
    %swap3A = arith.constant 0 : index
    %swap3A_16 = arith.constant 0 : index
    %swap3A_17 = vector.load %arg4[%swap3A, %swap3A_16] : memref<1x300xf32, #tpu.memory_space<vmem>>, vector<1x300xf32>
    tpu.vector_store %arg4[%swap3A, %swap3A_16], %add3A {strides = array<i32>} : memref<1x300xf32, #tpu.memory_space<vmem>>, vector<1x300xf32>,
    return
  }
}

</mosaic_0001>

<sc_bundles>
// kernel: kernel.4.cloned.1.call-start
scs
__scs_entry_jumppad:
0x0: {  	(pc) =	sbr.rel $0x88, $3  }
0x1: {  	(tag) =	ssettag $0x0;
	lr =	simm.s32 $0x1  }
0x2: {  	[smem:$0x3F9D] =	sst lr;
	_ =	strace $0xD0000000  }
0x3: {  	_ = 	snop  }
0x4: {  	_ = 	snop  }
0x5: {  	_ = 	snop  }
0x6: {  	_ = 	snop  }
0x7: {  	_ = 	snop  }
__scs_overlays_trampoline_lowered:
0x8: {  	[smem:$0x3FAC] =	sst s0  }
0x9: {  	[smem:$0x3FAD] =	sst s1  }
0xa: {  	[smem:$0x3FAE] =	sst s2  }
0xb: {  	[smem:$0x3FAF] =	sst s3  }
0xc: {  	[smem:$0x3FB0] =	sst s4  }
0xd: {  	[smem:$0x3FB1] =	sst s5  }
0xe: {  	[smem:$0x3FB2] =	sst s6  }
0xf: {  	[smem:$0x3FB3] =	sst s7  }
0x10: {  	[smem:$0x3FB4] =	sst s8  }
0x11: {  	[smem:$0x3FB5] =	sst s9;
	s0 =	simm.s32 @!p0 $0x0  }
0x12: {  	s1 =	sld [smem:$0x3F9B];
	s0 =	simm.s32 @p0 $0x1  }
0x13: {  	[smem:$0x3FB6] =	sst s0;
	s0 =	simm.s32 @!p1 $0x0  }
0x14: {  	s2 =	sld [smem:$0x3F9A];
	s0 =	simm.s32 @p1 $0x1  }
0x15: {  	[smem:$0x3FB7] =	sst s0;
	s0 =	simm.s32 @!p2 $0x0  }
0x16: {  	s3 =	sld [smem:$0x3FDB];
	s0 =	simm.s32 @p2 $0x1  }
0x17: {  	s4 =	simm.s32 $0x1BF5;
	[smem:$0x3FB9] =	sst s0  }
0x18: {  	s0 =	sld [smem:$0x3F9C];
	_ =	swait.ge [sflag:s4], $0x0  }
0x19: {  	s7 =	sld [smem:$0x3F9D]  }
0x1a: {  	s8 =	sadd.s32 $0xFFFFE003, lr  }
0x1b: {  	s9 =	sadd.s32 $0xFFFFFEF7, lr;
	s5 =	simm.s32 $0xFFFFFFFF;
	p2 =	slt.u32 s8, $0xFFFFF086  }
0x1c: {  	p1 =	slt.u32 s9, $0xF7A;
	s5 =	simm.s32 @!p2 $0x0  }
0x1d: {  	s5 =	simm.s32 @p1 $0x1;
	p0 =	seq.s32 s7, s2  }
0x1e: {  	s7 =	smul.u32 @!p0 $0xF7A, s2;
	p2 =	seq.s32 @!p0 s5, $0x0  }
0x1f: {  	s9 =	smul.u32 $0xF7A, s1;
	s8 =	simm.s32 @!p0 $0x1BF5;
	p2 =	por !p2, p0  }
0x20: {  	[sflag:s8] =	ssyncset.s32 @!p0 $0xFFFFF086;
	s6 =	sadd.s32 @!p0 s3, s7;
	s7 =	simm.s32 @!p0 $0x108  }
0x21: {  	s3 =	sadd.s32 s3, s9;
	s6 =	sadd.s32 @!p0 $0x88, s6;
	s7 =	simm.s32 @p2 $0x1082  }
0x22: {  	[simem:s7], [sflag:s8] =	dma.local @!p0 [hbm:s6], $0xF7A  }
0x23: {  	s9 =	sor.u32 $0xD0000000, s2;
	s6 =	simm.s32 $0x108;
	_ =	swait.ge @!p0 [sflag:s8], $0x0  }
0x24: {  	s3 =	sadd.s32 $0x88, s3;
	s6 =	simm.s32 @!p1 $0x1082;
	[sflag:s4] =	ssyncset.s32 $0xFFFFF086  }
0x25: {  	[simem:s6], [sflag:s4] =	dma.local [hbm:s3], $0xF7A  }
0x26: {  	[smem:$0x3F9D] =	sst s1;
	(tag) =	ssettag s2;
	_ =	strace s9  }
0x27: {  	s1 =	sld [smem:$0x3FAD]  }
0x28: {  	s2 =	sld [smem:$0x3FAE]  }
0x29: {  	s4 =	sld [smem:$0x3FB0]  }
0x2a: {  	p0 =	seq.s32 s5, $0x0;
	s5 =	sld [smem:$0x3FB1]  }
0x2b: {  	s6 =	sld [smem:$0x3FB2]  }
0x2c: {  	s7 =	sld [smem:$0x3FB3]  }
0x2d: {  	s3 =	simm.s32 $0x108;
	s8 =	sld [smem:$0x3FB4]  }
0x2e: {  	s3 =	simm.s32 @!p0 $0x1082;
	s9 =	sld [smem:$0x3FB5]  }
0x2f: {  	lr =	sadd.s32 s0, s3;
	s0 =	sld [smem:$0x3FAC]  }
0x30: {  	s3 =	sld [smem:$0x3FAF]  }
0x31: {  	[smem:$0x3FB8] =	sst s10  }
0x32: {  	s10 =	sld [smem:$0x3FB6];
	_ =	sdelay $0x3  }
0x33: {  	p0 =	seq.s32 s10, $0x1;
	s10 =	sld [smem:$0x3FB8];
	_ =	sdelay $0x3  }
0x34: {  	[smem:$0x3FB8] =	sst s10  }
0x35: {  	s10 =	sld [smem:$0x3FB7];
	_ =	sdelay $0x3  }
0x36: {  	p1 =	seq.s32 s10, $0x1;
	s10 =	sld [smem:$0x3FB8];
	_ =	sdelay $0x3  }
0x37: {  	[smem:$0x3FB8] =	sst s10  }
0x38: {  	s10 =	sld [smem:$0x3FB9]  }
0x39: {  	_ = 	snop;
	(pc) =	sbr.ind lr, $3  }
0x3a: {  	_ = 	snop  }
0x3b: {  	_ = 	snop  }
0x3c: {  	p2 =	seq.s32 s10, $0x1;
	s10 =	sld [smem:$0x3FB8]  }
0x3d: {  	_ =	shalt  }
0x3e: {  	_ =	shalt  }
0x3f: {  	_ =	shalt  }
0x40: {  	_ =	shalt  }
0x41: {  	_ =	shalt  }
0x42: {  	_ =	shalt  }
0x43: {  	_ =	shalt  }
0x44: {  	_ =	shalt  }
0x45: {  	_ =	shalt  }
0x46: {  	_ =	shalt  }
0x47: {  	_ =	shalt  }
0x48: {  	_ =	shalt  }
0x49: {  	_ =	shalt  }
0x4a: {  	_ =	shalt  }
0x4b: {  	_ =	shalt  }
0x4c: {  	_ =	shalt  }
0x4d: {  	_ =	shalt  }
0x4e: {  	_ =	shalt  }
0x4f: {  	_ =	shalt  }
0x50: {  	_ =	shalt  }
0x51: {  	_ =	shalt  }
0x52: {  	_ =	shalt  }
0x53: {  	_ =	shalt  }
0x54: {  	_ =	shalt  }
0x55: {  	_ =	shalt  }
0x56: {  	_ =	shalt  }
0x57: {  	_ =	shalt  }
0x58: {  	_ =	shalt  }
0x59: {  	_ =	shalt  }
0x5a: {  	_ =	shalt  }
0x5b: {  	_ =	shalt  }
0x5c: {  	_ =	shalt  }
0x5d: {  	_ =	shalt  }
0x5e: {  	_ =	shalt  }
0x5f: {  	_ =	shalt  }
0x60: {  	_ =	shalt  }
0x61: {  	_ =	shalt  }
0x62: {  	_ =	shalt  }
0x63: {  	_ =	shalt  }
0x64: {  	_ =	shalt  }
0x65: {  	_ =	shalt  }
0x66: {  	_ =	shalt  }
0x67: {  	_ =	shalt  }
0x68: {  	_ =	shalt  }
0x69: {  	_ =	shalt  }
0x6a: {  	_ =	shalt  }
0x6b: {  	_ =	shalt  }
0x6c: {  	_ =	shalt  }
0x6d: {  	_ =	shalt  }
0x6e: {  	_ =	shalt  }
0x6f: {  	_ =	shalt  }
0x70: {  	_ =	shalt  }
0x71: {  	_ =	shalt  }
0x72: {  	_ =	shalt  }
0x73: {  	_ =	shalt  }
0x74: {  	_ =	shalt  }
0x75: {  	_ =	shalt  }
0x76: {  	_ =	shalt  }
0x77: {  	_ =	shalt  }
0x78: {  	_ =	shalt  }
0x79: {  	_ =	shalt  }
0x7a: {  	_ =	shalt  }
0x7b: {  	_ =	shalt  }
0x7c: {  	_ =	shalt  }
0x7d: {  	_ =	shalt  }
0x7e: {  	_ =	shalt  }
0x7f: {  	_ =	shalt  }
0x80: {  	_ =	shalt  }
0x81: {  	_ =	shalt  }
0x82: {  	_ =	shalt  }
0x83: {  	_ =	shalt  }
0x84: {  	_ =	shalt  }
0x85: {  	_ =	shalt  }
0x86: {  	_ =	shalt  }
0x87: {  	_ =	shalt  }
.Lfunc_end0:
.L_simem_size_0:
called_computation_lowered:
.L_overlay_start_0:
0x88: {  	s0 =	sld [smem:$0x3FD9]  }
0x89: {  	s1 =	sld [smem:$0x3FFE];
	_ =	sdelay $0x3  }
0x8a: {  	s0 =	sadd.s32 s1, s0  }
0x8b: {  	[smem:$0x3FC4] =	sst s0  }
0x8c: {  	_ = 	snop  }
0x8d: {  	s0 =	sld [smem:$0x3FC9];
	(tm) =	ssettm $0x1  }
0x8e: {  	s16 =	sld [smem:$0x3FFB];
	_ =	sdelay $0x3  }
0x8f: {  	_ =	strace s16  }
0x90: {  	s1 =	sld [smem:$0x3FFC];
	_ =	sdelay $0x3  }
0x91: {  	_ =	strace s1  }
0x92: {  	s1 =	sld [smem:$0x3FFD];
	_ =	sdelay $0x3  }
0x93: {  	_ =	strace s1  }
0x94: {  	_ =	strace $0x8FFFFFFF  }
0x95: {  	s17 =	sld [smem:$0x3FDB];
	_ =	sdelay $0x1  }
0x96: {  	s2 =	simm.s32 $_scs_section_size  }
0x97: {  	s3 =	simm.s32 $_size__tile_overlayer_lowered;
	s4 =	simm.s32 $_tile_overlayer_lowered  }
0x98: {  	s20 =	simm.s32 $0x1BFF;
	s19 =	sshll.u32 s4, $0x1;
	s1 =	sadd.s32 s2, s17  }
0x99: {  	s5 =	simm.s32 $0x0;
	s18 =	sshll.u32 s3, $0x1;
	s3 =	sadd.s32 s19, s1  }
0x9a: {  	[timem:s5], [sflag:s20] =	dma.local [hbm:s3], s18  }
0x9b: {  	_ =	swait.ge [sflag:s20], s18  }
0x9c: {  	s2 =	ssub.s32 $0x0, s18;
	[sflag:s20] =	ssyncset.done $0x0  }
0x9d: {  	[sflag:s20] =	ssyncadd.s32 s2;
	_ =	sdelay $0x1  }
0x9e: {  	s21 =	simm.s32 $0x1B8B  }
0x9f: {  	_ =	swait.ge [sflag:s21], $0x1  }
0xa0: {  	[sflag:s21] =	ssyncset.done $0x0  }
0xa1: {  	s23 =	simm.s32 $0x1B8E;
	s22 =	sld [smem:$0x3FFE];
	[sflag:s21] =	ssyncadd.s32 $0xFFFFFFFF  }
0xa2: {  	s24 =	simm.s32 $execute0_lowered;
	[smem:$0x3FD2] =	sst s23  }
0xa3: {  	s3 =	sshll.u32 s24, $0x1;
	_ =	strace $0x80000046;
	[dreg:$0x1] =	wrdreg $0xFFFFFFFF  }
0xa4: {  	s25 =	simm.s32 $_size_execute0_lowered;
	s1 =	sadd.s32 s1, s3;
	[dreg:$0x0] =	wrdreg $0x0  }
0xa5: {  	s3 =	sshll.u32 s25, $0x1;
	[dreg:$0x2] =	wrdreg s1  }
0xa6: {  	[dreg:$0x3] =	wrdreg s3  }
0xa7: {  	[dreg:$0x4] =	wrdreg $0xC0  }
0xa8: {  	_ =	task [dreg:s5], $0x5FFFF  }
0xa9: {  	[dreg:$0x1] =	wrdreg $0xFFFFFFFF  }
0xaa: {  	[dreg:$0x0] =	wrdreg $0x60  }
0xab: {  	[dreg:$0x2] =	wrdreg s0  }
0xac: {  	[dreg:$0x3] =	wrdreg s22  }
0xad: {  	[dreg:$0x4] =	wrdreg $0x9  }
0xae: {  	_ =	task.clear_ibuf [dreg:s5], $0x5FFFF;
	_ =	strace $0x90000046  }
0xaf: {  	s26 =	simm.s32 $0x9;
	_ =	strace $0x80000048  }
0xb0: {  	_ =	swait.ge [sflag:s26], $0x1  }
0xb1: {  	[sflag:s26] =	ssyncadd.s32 $0xFFFFFFFF  }
0xb2: {  	_ =	strace $0x90000048  }
0xb3: {  	_ =	sfence  }
0xb4: {  	s28 =	sld [smem:$0x0];
	_ =	sdelay $0x1  }
0xb5: {  	s29 =	srdreg.scid  }
0xb6: {  	s30 =	sshll.u32 s29, $0xD;
	s31 =	sshrl.u32 s29, $0x2  }
0xb7: {  	s2 =	sand.u32 $0x4000, s30;
	s1 =	sand.u32 $0x1, s29;
	s0 =	sadd.s32 s31, s28  }
0xb8: {  	s1 =	sor.u32 s2, s1;
	s0 =	sshll.u32 s0, $0x11  }
0xb9: {  	s0 =	sor.u32 s0, s1  }
0xba: {  	s0 =	sadd.s32 $0x8F2B, s0  }
0xbb: {  	[sflag:s0] =	ssyncadd.remote.s32 $0x1  }
0xbc: {  	_ =	sfence.sel $0xFFFF  }
0xbd: {  	[dreg:$0x0] =	wrdreg $0xFFFFFFFF;
	(pc) =	sbr.abs _section_cstart, $3  }
0xbe: {  	[dreg:$0x1] =	wrdreg $0xFFFFFFFF  }
0xbf: {  	_ =	task.clear_ibuf [dreg:s5], $0x2FFFF;
	_ =	strace $0x9FFFFFFF  }
0xc0: {  	(tm) =	ssettm $0x7FFFFFFF  }
0xc1: {  	_ =	shalt  }
tec
execute0_lowered:
.L_overlay_start_1:
0x0: {  	(tag) =	ssettag $0x1  }
0x1: {  	s3 =	rddreg [dreg:$0x0]  }
0x2: {  	s4 =	rddreg [dreg:$0x1];
	s5 =	simm.s32 $0x0;
	s1 =	stileid.u32  }
0x3: {  	[smem:$0x7FF] =	sst s5;
	s2 =	sshll.u32 s1, $0x7  }
0x4: {  	s0 =	rddreg [dreg:$0x2];
	_ =	strace $0x80000047;
	s3 =	sadd.s32 s3, s2  }
0x5: {  	v0 =	vimm.f32 $0.0e+00;
	[tilespmem:s5], [sflag:$0x1] =	stream.linear.gather [hbm4b:s3+s5], $0x400, $0x38;
	[tilespmem:$0x580] =	vst v63  }
0x6: {  	[tilespmem:$0x400] =	vst v0  }
0x7: {  	[tilespmem:$0x410] =	vst v0  }
0x8: {  	[tilespmem:$0x420] =	vst v0  }
0x9: {  	[tilespmem:$0x430] =	vst v0  }
0xa: {  	[tilespmem:$0x440] =	vst v0  }
0xb: {  	[tilespmem:$0x450] =	vst v0  }
0xc: {  	[tilespmem:$0x460] =	vst v0  }
0xd: {  	[tilespmem:$0x470] =	vst v0  }
0xe: {  	[tilespmem:$0x480] =	vst v0  }
0xf: {  	[tilespmem:$0x490] =	vst v0  }
0x10: {  	[tilespmem:$0x4A0] =	vst v0  }
0x11: {  	[tilespmem:$0x4B0] =	vst v0  }
0x12: {  	[tilespmem:$0x4C0] =	vst v0  }
0x13: {  	[tilespmem:$0x4D0] =	vst v0  }
0x14: {  	[tilespmem:$0x4E0] =	vst v0  }
0x15: {  	[tilespmem:$0x4F0] =	vst v0  }
0x16: {  	[tilespmem:$0x500] =	vst v0  }
0x17: {  	[tilespmem:$0x510] =	vst v0  }
0x18: {  	s31 =	simm.s32 $0x1;
	[tilespmem:$0x520] =	vst v0  }
0x19: {  	_ =	swait.ge [sflag:s31], $0x400  }
0x1a: {  	s6 =	simm.s32 $0x400;
	s3 =	sadd.s32 $0xC00, s4;
	[sflag:s31] =	ssyncset.done $0x0  }
0x1b: {  	s4 =	simm.s32 $0xFFFFFFFC;
	s5 =	simm.s32 $0x20;
	v0 =	vimm.f32 $1.000000000e+00;
	[sflag:s31] =	ssyncadd.s32 $0xFFFFFC00  }
.LBB2_1:
0x1c: {  	v1 =	vld [tilespmem:s5+$0xFFFFFFE0];
	_ =	sdelay $0x7  }
0x1d: {  	[tilespmem:v1+s6+$0x0] =	vst.idx.add.f32.msk $0xffff, v0  }
0x1e: {  	v1 =	vld [tilespmem:s5+$0xFFFFFFF0];
	_ =	sdelay $0x7  }
0x1f: {  	[tilespmem:v1+s6+$0x0] =	vst.idx.add.f32.msk $0xffff, v0  }
0x20: {  	v1 =	vld [tilespmem:s5+$0x0];
	_ =	sdelay $0x7  }
0x21: {  	[tilespmem:v1+s6+$0x0] =	vst.idx.add.f32.msk $0xffff, v0  }
0x22: {  	v1 =	vld [tilespmem:s5+$0x10];
	_ =	sdelay $0x1  }
0x23: {  	s4 =	sadd.s32 $0x4, s4  }
0x24: {  	p0 =	slt.u32 s4, $0x3C  }
.Ltmp0:
0x25: {  	_ = 	snop;
	(pc) =	sbr.rel @p0 .LBB2_1-.Ltmp0, $2  }
0x26: {  	_ =	sdelay $0x2  }
0x27: {  	s5 =	sadd.s32 $0x40, s5;
	[tilespmem:v1+s6+$0x0] =	vst.idx.add.f32.msk $0xffff, v0  }
0x28: {  	s4 =	sshrl.u32 s1, $0x3  }
0x29: {  	s4 =	smul.u32 $0xC00, s4  }
0x2a: {  	s2 =	sand.u32 $0x380, s2  }
0x2b: {  	s2 =	sor.u32 s2, s4  }
0x2c: {  	s29 =	simm.s32 $0x80;
	s2 =	sshrl.u32 s2, $0x3  }
0x2d: {  	s30 =	simm.s32 $0x400;
	s31 =	simm.s32 $0x2;
	s2 =	sadd.s32 s3, s2  }
0x2e: {  	[hbm4b:s2+s29] =	stream.strided.scatter [tilespmem:s30], [sflag:$0x2], $0x180, s30, s29, $0x38;
	[tilespmem:$0x580] =	vst v63  }
0x2f: {  	_ =	swait.ge [sflag:s31], $0x180  }
0x30: {  	[sflag:s31] =	ssyncset.done $0x0  }
0x31: {  	[sflag:s31] =	ssyncadd.s32 $0xFFFFFE80  }
0x32: {  	_ =	sfence.sel $0x180000  }
0x33: {  	[bflag:$0x0] =	sbarrier.arrive $0xFFFF  }
0x34: {  	p0 =	sne.s32 s1, $0x0;
	_ =	strace $0x90000047  }
0x35: {  	s0 =	sadd.s32 @!p0 $0x100000, s0;
	[bflag:$0x2] =	sbarrier.arrive $0xFFFF  }
0x36: {  	[sflag:s0] =	ssyncadd.tile.s32 @!p0 $0x1;
	_ =	shalt  }
.Lfunc_end2:
_tile_overlayer_lowered:
.L_overlay_start_2:
0x37: {  	(tag) =	ssettag $0x2  }
0x38: {  	s0 =	rddreg [dreg:$0x0];
	s2 =	stileid.u32  }
0x39: {  	s1 =	rddreg [dreg:$0x1];
	p0 =	sne.s32 s2, $0x0  }
0x3a: {  	s3 =	rddreg [dreg:$0x2];
	[bflag:$0x3] =	sbarrier.arrive $0xFFFF;
	s2 =	simm.s32 @!p0 $0x1C02  }
0x3b: {  	[timem:s3], [sflag:s2] =	dma.local @!p0 [hbm:s0], s1  }
0x3c: {  	s0 =	simm.s32 @!p0 $0x2  }
0x3d: {  	_ =	swait.ge @!p0 [sflag:s0], s1  }
0x3e: {  	s1 =	ssub.s32 @!p0 $0x0, s1;
	[sflag:s0] =	ssyncset.done @!p0 $0x0  }
0x3f: {  	[sflag:s0] =	ssyncadd.s32 @!p0 s1  }
0x40: {  	[bflag:$0x3] =	sbarrier.arrive $0xFFFF  }
0x41: {  	_ =	shalt  }

</sc_bundles>
